<compile_context>
chip_gen: v7x
topology: tpu7x:2x2x1
jax: 0.10.2.dev20260603
libtpu: 0.0.44.dev20260713+nightly
codegen_flags: <defaults>
</compile_context>

<pallas_src>
import jax
import jax.numpy as jnp
from jax import lax
from jax.experimental import pallas as pl
from jax.experimental.pallas import tpu as pltpu
from jax.experimental.pallas import tpu_sc as plsc

_B = 8
_N = 100000
_NPAD = 100096
_TOTPAD = _B * _NPAD
_K = int(0.8 * _B * _N)

_NTILES = 32
_CHUNK = _TOTPAD // _NTILES
_VECS = _CHUNK // 16
_NBUCKETS = 1 << 15


def _tc1_body(x_ref, t_ref, w_ref, bits_ref, dicel_ref):
    x = x_ref[:]
    t = t_ref[:]
    w = w_ref[:]
    e = jnp.exp(-jnp.abs(x))
    bce = (jnp.maximum(x, 0.0) - x * t + jnp.log(1.0 + e)) * w
    bits_ref[:, pl.ds(_NPAD - 128, 128)] = jnp.zeros((_B, 128), jnp.int32)
    bits_ref[:, pl.ds(0, _N)] = lax.bitcast_convert_type(bce, jnp.int32)
    probs = 1.0 / (1.0 + jnp.exp(-x))
    inter = jnp.sum(probs * t, axis=1, keepdims=True)
    sum_p = jnp.sum(probs, axis=1, keepdims=True)
    sum_t = jnp.sum(t, axis=1, keepdims=True)
    dice_score = (2.0 * inter + 1e-06) / (sum_p + sum_t + 1e-06)
    z = jnp.abs(1.0 - dice_score)
    lc = z + jnp.log(1.0 + jnp.exp(-2.0 * z)) - jnp.float32(0.6931471805599453)
    dicel_ref[0, 0] = jnp.sum(lc) / jnp.float32(_B)


def _sc_hist_body(bits_hbm, hist_hbm, data_v, hist_v):
    c = lax.axis_index("c")
    s = lax.axis_index("s")
    wid = c * 16 + s

    @plsc.parallel_loop(0, _NBUCKETS // 16, unroll=8)
    def _zero_body(j):
        hist_v[pl.ds(j * 16, 16)] = jnp.zeros((16,), jnp.int32)

    pltpu.sync_copy(bits_hbm.at[pl.ds(wid * _CHUNK, _CHUNK)], data_v)

    @plsc.parallel_loop(0, _VECS, unroll=4)
    def _hist_body(i):
        v = data_v[pl.ds(i * 16, 16)]
        idx = lax.shift_right_logical(v, 16)
        cnts, last = plsc.scan_count(idx)
        plsc.addupdate_scatter(hist_v, [idx], cnts, mask=last)

    pltpu.sync_copy(hist_v, hist_hbm.at[wid])


def _tc2_body(bits_ref, hists_ref, dicel_ref, out_ref, arr16_ref):
    hist = jnp.sum(hists_ref[:], axis=0, keepdims=True)
    histf = hist.astype(jnp.float32)
    bidx = lax.broadcasted_iota(jnp.int32, (1, _NBUCKETS), 1)
    kf = jnp.float32(_K)

    def bucket_round(i, tb):
        hi = jnp.int32(1) << (jnp.int32(14) - 2 * i)
        lo = jnp.int32(1) << (jnp.int32(13) - 2 * i)

        def cnt(c):
            return jnp.sum(jnp.where(bidx >= c, histf, 0.0))

        c11 = cnt(tb | hi | lo)
        c10 = cnt(tb | hi)
        c01 = cnt(tb | lo)
        return jnp.where(
            c11 >= kf,
            tb | hi | lo,
            jnp.where(c10 >= kf, tb | hi, jnp.where(c01 >= kf, tb | lo, tb)),
        )

    tbucket = lax.fori_loop(0, 7, bucket_round, jnp.int32(0))
    cand0 = tbucket | jnp.int32(1)
    cnt0 = jnp.sum(jnp.where(bidx >= cand0, histf, 0.0))
    tbucket = jnp.where(cnt0 >= kf, cand0, tbucket)

    c_above = jnp.sum(jnp.where(bidx > tbucket, histf, 0.0))

    bits = bits_ref[:]
    vals = lax.bitcast_convert_type(bits, jnp.float32)
    bucket = lax.shift_right_logical(bits, 16)
    s_above = jnp.sum(jnp.where(bucket > tbucket, vals, 0.0))
    low = bits & jnp.int32(0xFFFF)
    arr16_ref[:] = jnp.where(
        bucket == tbucket, low - 32768, jnp.int32(-32768)
    ).astype(jnp.int16)

    def low_round(i, lowt):
        hi = jnp.int32(1) << (jnp.int32(15) - 2 * i)
        lo = jnp.int32(1) << (jnp.int32(14) - 2 * i)
        aw = arr16_ref[:].astype(jnp.int32)

        def cnt(c):
            return c_above + jnp.sum(jnp.where(aw >= c - 32768, 1.0, 0.0))

        c11 = cnt(lowt | hi | lo)
        c10 = cnt(lowt | hi)
        c01 = cnt(lowt | lo)
        return jnp.where(
            c11 >= kf,
            lowt | hi | lo,
            jnp.where(
                c10 >= kf, lowt | hi, jnp.where(c01 >= kf, lowt | lo, lowt)
            ),
        )

    lowt = lax.fori_loop(0, 8, low_round, jnp.int32(0))

    a32 = arr16_ref[:].astype(jnp.int32)
    gt = a32 > (lowt - 32768)
    lowv = (a32 & jnp.int32(0xFFFF)) ^ jnp.int32(0x8000)
    v_b = lax.bitcast_convert_type((tbucket << 16) | lowv, jnp.float32)
    s_gt = s_above + jnp.sum(jnp.where(gt, v_b, 0.0))
    c_gt = c_above + jnp.sum(jnp.where(gt, 1.0, 0.0))

    tbits = (tbucket << 16) | lowt
    tvec = jnp.full((1, 128), tbits, jnp.int32)
    t_val = jnp.max(lax.bitcast_convert_type(tvec, jnp.float32))
    bce_loss = (s_gt + (kf - c_gt) * t_val) / kf
    dice_loss = dicel_ref[0, 0]
    out_ref[0, 0] = 1.0 * bce_loss + 10.0 * dice_loss
    out_ref[0, 1] = bce_loss
    out_ref[0, 2] = dice_loss


def kernel(pred_logits, target_labels, weights):
    x = pred_logits.reshape(_B, _N)
    t = target_labels.reshape(_B, _N)
    w = weights.reshape(_B, _N)

    bits, dicel = pl.pallas_call(
        _tc1_body,
        out_shape=(
            jax.ShapeDtypeStruct((_B, _NPAD), jnp.int32),
            jax.ShapeDtypeStruct((1, 1), jnp.float32),
        ),
        out_specs=(
            pl.BlockSpec(memory_space=pltpu.VMEM),
            pl.BlockSpec(memory_space=pltpu.SMEM),
        ),
    )(x, t, w)

    sc_hist = pl.kernel(
        _sc_hist_body,
        out_type=jax.ShapeDtypeStruct((_NTILES, _NBUCKETS), jnp.int32),
        mesh=plsc.VectorSubcoreMesh(
            core_axis_name="c", subcore_axis_name="s", num_cores=2, num_subcores=16
        ),
        scratch_types=[
            pltpu.VMEM((_CHUNK,), jnp.int32),
            pltpu.VMEM((_NBUCKETS,), jnp.int32),
        ],
        compiler_params=pltpu.CompilerParams(needs_layout_passes=False),
    )
    hists = sc_hist(bits.reshape(_TOTPAD))

    out = pl.pallas_call(
        _tc2_body,
        out_shape=jax.ShapeDtypeStruct((1, 3), jnp.float32),
        out_specs=pl.BlockSpec(memory_space=pltpu.SMEM),
        in_specs=(
            pl.BlockSpec(memory_space=pltpu.VMEM),
            pl.BlockSpec(memory_space=pltpu.VMEM),
            pl.BlockSpec(memory_space=pltpu.SMEM),
        ),
        scratch_shapes=[pltpu.VMEM((_B, _NPAD), jnp.int16)],
    )(bits, hists, dicel)

    total = out[0, 0]
    bce_loss = out[0, 1]
    dice_loss = out[0, 2]
    return (total, lax.stop_gradient(bce_loss), lax.stop_gradient(dice_loss))

# --- scband reference (transcript-rebuilt; emitter-appended) ---
"""Pipeline reference for scband-occupancy-loss-87995289960882 (READ-ONLY COPY).

The authoritative reference and input builder live on the scoring server;
editing this copy changes nothing except your own understanding.
"""

import jax, jax.numpy as jnp
import numpy as np

BCE_WEIGHT = 1.0
DICE_WEIGHT = 10.0
OHEM_RATIO = 0.8


def setup_inputs(seed: int = 0) -> dict:
    key = jax.random.key(seed)
    k1, k2, k3 = jax.random.split(key, 3)
    pred_logits = jax.random.normal(k1, (8, 100000, 1), dtype=jnp.float32)
    target_labels = jax.random.uniform(k2, (8, 100000, 1), dtype=jnp.float32)
    weights = jax.random.uniform(k3, (8, 100000, 1), dtype=jnp.float32)
    return {"pred_logits": pred_logits, "target_labels": target_labels, "weights": weights}


def _bce_with_logits(x, t):
    # numerically stable binary_cross_entropy_with_logits, reduction='none'
    return jnp.maximum(x, 0.0) - x * t + jnp.log1p(jnp.exp(-jnp.abs(x)))


def reference(pred_logits, target_labels, weights):
    bce_all = _bce_with_logits(pred_logits, target_labels)
    bce_all = bce_all * weights
    B, N, _ = pred_logits.shape
    bce_flat = bce_all.reshape(-1)
    num_elements = bce_flat.shape[0]
    top_k = int(OHEM_RATIO * num_elements)
    if top_k < num_elements:
        bce_val, _ = jax.lax.top_k(bce_flat, top_k)
        bce_loss = jnp.mean(bce_val)
    else:
        bce_loss = jnp.mean(bce_all)
    probs = jax.nn.sigmoid(pred_logits)
    inter = jnp.sum(probs * target_labels, axis=1)
    union = jnp.sum(probs, axis=1) + jnp.sum(target_labels, axis=1)
    dice_score = (2.0 * inter + 1e-06) / (union + 1e-06)
    dice_loss = jnp.mean(jnp.log(jnp.cosh(1.0 - dice_score)))
    total_loss = BCE_WEIGHT * bce_loss + DICE_WEIGHT * dice_loss
    return (total_loss, jax.lax.stop_gradient(bce_loss), jax.lax.stop_gradient(dice_loss))

if __name__ == "__main__":
    import jax
    _d = setup_inputs()
    print(jax.jit(kernel)(*tuple(_d.values())))

</pallas_src>

<mosaic_0001>
#map = affine_map<(d0, d1) -> (0)>
#map1 = affine_map<(d0, d1) -> (0, 0)>
module attributes {stable_mosaic.version = 14 : i64} {
  func.func @_sc_hist_body(%arg0: i32, %arg1: i32, %arg2: memref<800768xi32, #tpu.memory_space<hbm>>, %arg3: memref<32x32768xi32, #tpu.memory_space<hbm>>, %arg4: memref<25024xi32, #tpu.memory_space<vmem>>, %arg5: memref<32768xi32, #tpu.memory_space<vmem>>) attributes {dimension_semantics = [#tpu.dimension_semantics<core_parallel>, #tpu.dimension_semantics<subcore_parallel>], iteration_bounds = array<i64: 2, 16>, scalar_prefetch = 0 : i64, scratch_operands = 2 : i64, tpu.core_type = #tpu.core_type<sc_vector_subcore>, window_params = [{transform_indices = #map}, {transform_indices = #map1}]} {
    %mul3A = arith.constant 16 : i32
    %mul3A_0 = arith.muli %arg0, %mul3A : i32
    %add3A = arith.addi %mul3A_0, %arg1 : i32
    %parallel_loop3A = arith.constant 0 : i32
    %parallel_loop3A_1 = arith.constant 2048 : i32
    %parallel_loop3A_2 = arith.constant 1 : i32
    scf.for %parallel_loop3A_8 = %parallel_loop3A to %parallel_loop3A_1 step %parallel_loop3A_2  : i32 {
      %parallel_loop3A_9 = arith.constant 0 : i32
      %parallel_loop3A_10 = vector.broadcast %parallel_loop3A_9 : i32 to vector<16xi32>
      %parallel_loop3A_11 = arith.constant 16 : i32
      %parallel_loop3A_12 = arith.muli %parallel_loop3A_8, %parallel_loop3A_11 : i32
      %parallel_loop3A_13 = arith.index_cast %parallel_loop3A_12 : i32 to index
      %parallel_loop3A_14 = tpu.vector_load %arg5[%parallel_loop3A_13] {strides = array<i32>} : memref<32768xi32, #tpu.memory_space<vmem>>, vector<16xi32>,
      tpu.vector_store %arg5[%parallel_loop3A_13], %parallel_loop3A_10 {strides = array<i32>} : memref<32768xi32, #tpu.memory_space<vmem>>, vector<16xi32>,
    } {sc.loop_unroll_factor = 8 : i64, sc.parallel_access}
    %mul3A_3 = arith.constant 25024 : i32
    %mul3A_4 = arith.muli %add3A, %mul3A_3 : i32
    "tpu.region"() ({
      %run_scoped3A = tpu.sem_alloc : memref<!tpu.dma_semaphore, #tpu.memory_space<semaphore_mem>>
      %dma_start3A = tpu.memref_slice %arg2[%mul3A_4] : memref<800768xi32, #tpu.memory_space<hbm>> -> memref<25024xi32, #tpu.memory_space<hbm>>
      %dma_start3A_8 = tpu.memref_slice %arg2[%mul3A_4] : memref<800768xi32, #tpu.memory_space<hbm>> -> memref<25024xi32, #tpu.memory_space<hbm>>
      tpu.enqueue_dma source(%dma_start3A_8 : memref<25024xi32, #tpu.memory_space<hbm>>) target(%arg4 : memref<25024xi32, #tpu.memory_space<vmem>>) target_semaphore(%run_scoped3A : memref<!tpu.dma_semaphore, #tpu.memory_space<semaphore_mem>>)
      %dma_wait3A = tpu.memref_slice %arg2[%mul3A_4] : memref<800768xi32, #tpu.memory_space<hbm>> -> memref<25024xi32, #tpu.memory_space<hbm>>
      %dma_wait3A_9 = tpu.memref_slice %arg2[%mul3A_4] : memref<800768xi32, #tpu.memory_space<hbm>> -> memref<25024xi32, #tpu.memory_space<hbm>>
      tpu.wait_dma2 semaphore(%run_scoped3A : memref<!tpu.dma_semaphore, #tpu.memory_space<semaphore_mem>>) src(%dma_wait3A_9 : memref<25024xi32, #tpu.memory_space<hbm>>) dst(%arg4 : memref<25024xi32, #tpu.memory_space<vmem>>)
      tpu.yield
    }) : () -> ()
    %parallel_loop3A_5 = arith.constant 0 : i32
    %parallel_loop3A_6 = arith.constant 1564 : i32
    %parallel_loop3A_7 = arith.constant 1 : i32
    scf.for %parallel_loop3A_8 = %parallel_loop3A_5 to %parallel_loop3A_6 step %parallel_loop3A_7  : i32 {
      %parallel_loop3A_9 = arith.constant 16 : i32
      %parallel_loop3A_10 = arith.muli %parallel_loop3A_8, %parallel_loop3A_9 : i32
      %parallel_loop3A_11 = arith.index_cast %parallel_loop3A_10 : i32 to index
      %parallel_loop3A_12 = tpu.vector_load %arg4[%parallel_loop3A_11] {strides = array<i32>} : memref<25024xi32, #tpu.memory_space<vmem>>, vector<16xi32>,
      %parallel_loop3A_13 = arith.constant 16 : i32
      %parallel_loop3A_14 = vector.broadcast %parallel_loop3A_13 : i32 to vector<16xi32>
      %parallel_loop3A_15 = arith.shrui %parallel_loop3A_12, %parallel_loop3A_14 : vector<16xi32>
      %parallel_loop3A_16 = arith.constant true
      %parallel_loop3A_17 = vector.broadcast %parallel_loop3A_16 : i1 to vector<16xi1>
      %parallel_loop3A_18, %parallel_loop3A_19 = tpu.scan_count mask(%parallel_loop3A_17 : vector<16xi1>) value(%parallel_loop3A_15 : vector<16xi32>) : vector<16xi1>, vector<16xi32>
      tpu.vector_store_idx %arg5[%parallel_loop3A_15], %parallel_loop3A_19 masked %parallel_loop3A_18 {add = true} : memref<32768xi32, #tpu.memory_space<vmem>>[vector<16xi32>], vector<16xi32>, vector<16xi1>
    } {sc.loop_unroll_factor = 4 : i64, sc.parallel_access}
    "tpu.region"() ({
      %run_scoped3A = tpu.sem_alloc : memref<!tpu.dma_semaphore, #tpu.memory_space<semaphore_mem>>
      %dma_start3A = arith.constant 0 : i32
      %dma_start3A_8 = tpu.memref_slice %arg3[%add3A, %dma_start3A] : memref<32x32768xi32, #tpu.memory_space<hbm>> -> memref<1x32768xi32, #tpu.memory_space<hbm>>
      %dma_start3A_9 = tpu.memref_squeeze %dma_start3A_8 : memref<1x32768xi32, #tpu.memory_space<hbm>> -> memref<32768xi32, #tpu.memory_space<hbm>>
      %dma_start3A_10 = arith.constant 0 : i32
      %dma_start3A_11 = tpu.memref_slice %arg3[%add3A, %dma_start3A_10] : memref<32x32768xi32, #tpu.memory_space<hbm>> -> memref<1x32768xi32, #tpu.memory_space<hbm>>
      %dma_start3A_12 = tpu.memref_squeeze %dma_start3A_11 : memref<1x32768xi32, #tpu.memory_space<hbm>> -> memref<32768xi32, #tpu.memory_space<hbm>>
      tpu.enqueue_dma source(%arg5 : memref<32768xi32, #tpu.memory_space<vmem>>) target(%dma_start3A_12 : memref<32768xi32, #tpu.memory_space<hbm>>) target_semaphore(%run_scoped3A : memref<!tpu.dma_semaphore, #tpu.memory_space<semaphore_mem>>)
      %dma_wait3A = arith.constant 0 : i32
      %dma_wait3A_13 = tpu.memref_slice %arg3[%add3A, %dma_wait3A] : memref<32x32768xi32, #tpu.memory_space<hbm>> -> memref<1x32768xi32, #tpu.memory_space<hbm>>
      %dma_wait3A_14 = tpu.memref_squeeze %dma_wait3A_13 : memref<1x32768xi32, #tpu.memory_space<hbm>> -> memref<32768xi32, #tpu.memory_space<hbm>>
      %dma_wait3A_15 = arith.constant 0 : i32
      %dma_wait3A_16 = tpu.memref_slice %arg3[%add3A, %dma_wait3A_15] : memref<32x32768xi32, #tpu.memory_space<hbm>> -> memref<1x32768xi32, #tpu.memory_space<hbm>>
      %dma_wait3A_17 = tpu.memref_squeeze %dma_wait3A_16 : memref<1x32768xi32, #tpu.memory_space<hbm>> -> memref<32768xi32, #tpu.memory_space<hbm>>
      tpu.wait_dma2 semaphore(%run_scoped3A : memref<!tpu.dma_semaphore, #tpu.memory_space<semaphore_mem>>) src(%arg5 : memref<32768xi32, #tpu.memory_space<vmem>>) dst(%dma_wait3A_17 : memref<32768xi32, #tpu.memory_space<hbm>>)
      tpu.yield
    }) : () -> ()
    return
  }
}

module attributes {stable_mosaic.version = 14 : i64} {
  func.func @_tc1_body(%arg0: memref<8x100000xf32, #tpu.memory_space<vmem>>, %arg1: memref<8x100000xf32, #tpu.memory_space<vmem>>, %arg2: memref<8x100000xf32, #tpu.memory_space<vmem>>, %arg3: memref<8x100096xi32, #tpu.memory_space<vmem>>, %arg4: memref<1x1xf32, #tpu.memory_space<smem>>) attributes {dimension_semantics = [], scalar_prefetch = 0 : i64, scratch_operands = 0 : i64, tpu.core_type = #tpu.core_type<tc>} {
    %get3A = arith.constant 0 : index
    %get3A_0 = arith.constant 0 : index
    %get3A_1 = vector.load %arg0[%get3A, %get3A_0] : memref<8x100000xf32, #tpu.memory_space<vmem>>, vector<8x100000xf32>
    %get3A_2 = arith.constant 0 : index
    %get3A_3 = arith.constant 0 : index
    %get3A_4 = vector.load %arg1[%get3A_2, %get3A_3] : memref<8x100000xf32, #tpu.memory_space<vmem>>, vector<8x100000xf32>
    %get3A_5 = arith.constant 0 : index
    %get3A_6 = arith.constant 0 : index
    %get3A_7 = vector.load %arg2[%get3A_5, %get3A_6] : memref<8x100000xf32, #tpu.memory_space<vmem>>, vector<8x100000xf32>
    %abs3A = math.absf %get3A_1 : vector<8x100000xf32>
    %neg3A = arith.constant 0.000000e+00 : f32
    %neg3A_8 = vector.broadcast %neg3A : f32 to vector<8x100000xf32>
    %neg3A_9 = arith.subf %neg3A_8, %abs3A : vector<8x100000xf32>
    %exp3A = math.exp %neg3A_9 : vector<8x100000xf32>
    %max3A = arith.constant 0.000000e+00 : f32
    %max3A_10 = vector.broadcast %max3A : f32 to vector<8x100000xf32>
    %max3A_11 = arith.maximumf %get3A_1, %max3A_10 : vector<8x100000xf32>
    %mul3A = arith.mulf %get3A_1, %get3A_4 : vector<8x100000xf32>
    %sub3A = arith.subf %max3A_11, %mul3A : vector<8x100000xf32>
    %add3A = arith.constant 1.000000e+00 : f32
    %add3A_12 = vector.broadcast %add3A : f32 to vector<8x100000xf32>
    %add3A_13 = arith.addf %add3A_12, %exp3A : vector<8x100000xf32>
    %log3A = math.log %add3A_13 : vector<8x100000xf32>
    %add3A_14 = arith.addf %sub3A, %log3A : vector<8x100000xf32>
    %mul3A_15 = arith.mulf %add3A_14, %get3A_7 : vector<8x100000xf32>
    %broadcast_in_dim3A = arith.constant 0 : i32
    %broadcast_in_dim3A_16 = vector.broadcast %broadcast_in_dim3A : i32 to vector<8x128xi32>
    %swap3A = arith.constant 0 : index
    %swap3A_17 = arith.constant 99968 : index
    %swap3A_18 = vector.load %arg3[%swap3A, %swap3A_17] : memref<8x100096xi32, #tpu.memory_space<vmem>>, vector<8x128xi32>
    tpu.vector_store %arg3[%swap3A, %swap3A_17], %broadcast_in_dim3A_16 {strides = array<i32>} : memref<8x100096xi32, #tpu.memory_space<vmem>>, vector<8x128xi32>,
    %bitcast_convert_type3A = tpu.bitcast %mul3A_15 : vector<8x100000xf32> -> vector<8x100000xi32>
    %swap3A_19 = arith.constant 0 : index
    %swap3A_20 = arith.constant 0 : index
    %swap3A_21 = vector.load %arg3[%swap3A_19, %swap3A_20] : memref<8x100096xi32, #tpu.memory_space<vmem>>, vector<8x100000xi32>
    tpu.vector_store %arg3[%swap3A_19, %swap3A_20], %bitcast_convert_type3A {strides = array<i32>} : memref<8x100096xi32, #tpu.memory_space<vmem>>, vector<8x100000xi32>,
    %neg3A_22 = arith.constant 0.000000e+00 : f32
    %neg3A_23 = vector.broadcast %neg3A_22 : f32 to vector<8x100000xf32>
    %neg3A_24 = arith.subf %neg3A_23, %get3A_1 : vector<8x100000xf32>
    %exp3A_25 = math.exp %neg3A_24 : vector<8x100000xf32>
    %add3A_26 = arith.constant 1.000000e+00 : f32
    %add3A_27 = vector.broadcast %add3A_26 : f32 to vector<8x100000xf32>
    %add3A_28 = arith.addf %add3A_27, %exp3A_25 : vector<8x100000xf32>
    %div3A = arith.constant 1.000000e+00 : f32
    %div3A_29 = vector.broadcast %div3A : f32 to vector<8x100000xf32>
    %div3A_30 = arith.divf %div3A_29, %add3A_28 : vector<8x100000xf32>
    %mul3A_31 = arith.mulf %div3A_30, %get3A_4 : vector<8x100000xf32>
    %reduce_sum3A = arith.constant dense<0.000000e+00> : vector<8xf32>
    %reduce_sum3A_32 = vector.multi_reduction <add>, %mul3A_31, %reduce_sum3A [1] : vector<8x100000xf32> to vector<8xf32>
    %broadcast_in_dim3A_33 = vector.shape_cast %reduce_sum3A_32 : vector<8xf32> to vector<8x1xf32>
    %reduce_sum3A_34 = arith.constant dense<0.000000e+00> : vector<8xf32>
    %reduce_sum3A_35 = vector.multi_reduction <add>, %div3A_30, %reduce_sum3A_34 [1] : vector<8x100000xf32> to vector<8xf32>
    %broadcast_in_dim3A_36 = vector.shape_cast %reduce_sum3A_35 : vector<8xf32> to vector<8x1xf32>
    %reduce_sum3A_37 = arith.constant dense<0.000000e+00> : vector<8xf32>
    %reduce_sum3A_38 = vector.multi_reduction <add>, %get3A_4, %reduce_sum3A_37 [1] : vector<8x100000xf32> to vector<8xf32>
    %broadcast_in_dim3A_39 = vector.shape_cast %reduce_sum3A_38 : vector<8xf32> to vector<8x1xf32>
    %mul3A_40 = arith.constant 2.000000e+00 : f32
    %mul3A_41 = vector.broadcast %mul3A_40 : f32 to vector<8x1xf32>
    %mul3A_42 = arith.mulf %mul3A_41, %broadcast_in_dim3A_33 : vector<8x1xf32>
    %add3A_43 = arith.constant 9.99999997E-7 : f32
    %add3A_44 = vector.broadcast %add3A_43 : f32 to vector<8x1xf32>
    %add3A_45 = arith.addf %mul3A_42, %add3A_44 : vector<8x1xf32>
    %add3A_46 = arith.addf %broadcast_in_dim3A_36, %broadcast_in_dim3A_39 : vector<8x1xf32>
    %add3A_47 = arith.constant 9.99999997E-7 : f32
    %add3A_48 = vector.broadcast %add3A_47 : f32 to vector<8x1xf32>
    %add3A_49 = arith.addf %add3A_46, %add3A_48 : vector<8x1xf32>
    %div3A_50 = arith.divf %add3A_45, %add3A_49 : vector<8x1xf32>
    %sub3A_51 = arith.constant 1.000000e+00 : f32
    %sub3A_52 = vector.broadcast %sub3A_51 : f32 to vector<8x1xf32>
    %sub3A_53 = arith.subf %sub3A_52, %div3A_50 : vector<8x1xf32>
    %abs3A_54 = math.absf %sub3A_53 : vector<8x1xf32>
    %mul3A_55 = arith.constant -2.000000e+00 : f32
    %mul3A_56 = vector.broadcast %mul3A_55 : f32 to vector<8x1xf32>
    %mul3A_57 = arith.mulf %mul3A_56, %abs3A_54 : vector<8x1xf32>
    %exp3A_58 = math.exp %mul3A_57 : vector<8x1xf32>
    %add3A_59 = arith.constant 1.000000e+00 : f32
    %add3A_60 = vector.broadcast %add3A_59 : f32 to vector<8x1xf32>
    %add3A_61 = arith.addf %add3A_60, %exp3A_58 : vector<8x1xf32>
    %log3A_62 = math.log %add3A_61 : vector<8x1xf32>
    %add3A_63 = arith.addf %abs3A_54, %log3A_62 : vector<8x1xf32>
    %sub3A_64 = arith.constant 0.693147182 : f32
    %sub3A_65 = vector.broadcast %sub3A_64 : f32 to vector<8x1xf32>
    %sub3A_66 = arith.subf %add3A_63, %sub3A_65 : vector<8x1xf32>
    %reduce_sum3A_67 = vector.shape_cast %sub3A_66 : vector<8x1xf32> to vector<1x8x1xf32>
    %reduce_sum3A_68 = arith.constant dense<0.000000e+00> : vector<1xf32>
    %reduce_sum3A_69 = vector.multi_reduction <add>, %reduce_sum3A_67, %reduce_sum3A_68 [1, 2] : vector<1x8x1xf32> to vector<1xf32>
    %reduce_sum3A_70 = vector.shape_cast %reduce_sum3A_69 : vector<1xf32> to vector<1x1x1xf32>
    %reduce_sum3A_71 = vector.extract %reduce_sum3A_70[0, 0, 0] : f32 from vector<1x1x1xf32>
    %div3A_72 = arith.constant 8.000000e+00 : f32
    %div3A_73 = arith.divf %reduce_sum3A_71, %div3A_72 : f32
    %swap3A_74 = arith.constant 0 : index
    %swap3A_75 = arith.constant 0 : index
    %swap3A_76 = memref.load %arg4[%swap3A_74, %swap3A_75] : memref<1x1xf32, #tpu.memory_space<smem>>
    memref.store %div3A_73, %arg4[%swap3A_74, %swap3A_75] : memref<1x1xf32, #tpu.memory_space<smem>>
    return
  }
}

module attributes {stable_mosaic.version = 14 : i64} {
  func.func @_tc2_body(%arg0: memref<8x100096xi32, #tpu.memory_space<vmem>>, %arg1: memref<32x32768xi32, #tpu.memory_space<vmem>>, %arg2: memref<1x1xf32, #tpu.memory_space<smem>>, %arg3: memref<1x3xf32, #tpu.memory_space<smem>>, %arg4: memref<8x100096xi16, #tpu.memory_space<vmem>>) attributes {dimension_semantics = [], scalar_prefetch = 0 : i64, scratch_operands = 1 : i64, tpu.core_type = #tpu.core_type<tc>} {
    %get3A = arith.constant 0 : index
    %get3A_0 = arith.constant 0 : index
    %get3A_1 = vector.load %arg1[%get3A, %get3A_0] : memref<32x32768xi32, #tpu.memory_space<vmem>>, vector<32x32768xi32>
    %reduce_sum3A = arith.constant dense<0> : vector<32768xi32>
    %reduce_sum3A_2 = vector.multi_reduction <add>, %get3A_1, %reduce_sum3A [0] : vector<32x32768xi32> to vector<32768xi32>
    %broadcast_in_dim3A = vector.shape_cast %reduce_sum3A_2 : vector<32768xi32> to vector<1x32768xi32>
    %convert_element_type3A = arith.sitofp %broadcast_in_dim3A : vector<1x32768xi32> to vector<1x32768xf32>
    %iota3A = tpu.iota {dimensions = array<i32: 1>} : vector<1x32768xi32>
    %scan3A = arith.constant 6.400000e+05 : f32
    %scan3A_3 = arith.constant 0 : i32
    %scan3A_4 = arith.constant 0 : i32
    %scan3A_5 = arith.constant 7 : i32
    %scan3A_6 = arith.addi %scan3A_4, %scan3A_5 : i32
    %scan3A_7 = arith.constant 1 : i32
    %scan3A_8 = scf.for %scan3A_130 = %scan3A_4 to %scan3A_6 step %scan3A_7 iter_args(%scan3A_131 = %scan3A_3) -> (i32)  : i32 {
      %mul3A_132 = arith.constant 2 : i32
      %mul3A_133 = arith.muli %mul3A_132, %scan3A_130 : i32
      %sub3A_134 = arith.constant 14 : i32
      %sub3A_135 = arith.subi %sub3A_134, %mul3A_133 : i32
      %shift_left3A_136 = arith.constant 1 : i32
      %shift_left3A_137 = arith.shli %shift_left3A_136, %sub3A_135 : i32
      %mul3A_138 = arith.constant 2 : i32
      %mul3A_139 = arith.muli %mul3A_138, %scan3A_130 : i32
      %sub3A_140 = arith.constant 13 : i32
      %sub3A_141 = arith.subi %sub3A_140, %mul3A_139 : i32
      %shift_left3A_142 = arith.constant 1 : i32
      %shift_left3A_143 = arith.shli %shift_left3A_142, %sub3A_141 : i32
      %or3A_144 = arith.ori %scan3A_131, %shift_left3A_137 : i32
      %or3A_145 = arith.ori %or3A_144, %shift_left3A_143 : i32
      %ge3A_146 = vector.broadcast %or3A_145 : i32 to vector<1x32768xi32>
      %ge3A_147 = arith.cmpi sge, %iota3A, %ge3A_146 : vector<1x32768xi32>
      %jit3A_148 = arith.constant 0.000000e+00 : f32
      %broadcast_in_dim3A_149 = vector.broadcast %jit3A_148 : f32 to vector<1x32768xf32>
      %select_n3A_150 = arith.select %ge3A_147, %convert_element_type3A, %broadcast_in_dim3A_149 : vector<1x32768xi1>, vector<1x32768xf32>
      %reduce_sum3A_151 = vector.shape_cast %select_n3A_150 : vector<1x32768xf32> to vector<1x1x32768xf32>
      %reduce_sum3A_152 = arith.constant dense<0.000000e+00> : vector<1xf32>
      %reduce_sum3A_153 = vector.multi_reduction <add>, %reduce_sum3A_151, %reduce_sum3A_152 [1, 2] : vector<1x1x32768xf32> to vector<1xf32>
      %reduce_sum3A_154 = vector.shape_cast %reduce_sum3A_153 : vector<1xf32> to vector<1x1x1xf32>
      %reduce_sum3A_155 = vector.extract %reduce_sum3A_154[0, 0, 0] : f32 from vector<1x1x1xf32>
      %or3A_156 = arith.ori %scan3A_131, %shift_left3A_137 : i32
      %ge3A_157 = vector.broadcast %or3A_156 : i32 to vector<1x32768xi32>
      %ge3A_158 = arith.cmpi sge, %iota3A, %ge3A_157 : vector<1x32768xi32>
      %jit3A_159 = arith.constant 0.000000e+00 : f32
      %broadcast_in_dim3A_160 = vector.broadcast %jit3A_159 : f32 to vector<1x32768xf32>
      %select_n3A_161 = arith.select %ge3A_158, %convert_element_type3A, %broadcast_in_dim3A_160 : vector<1x32768xi1>, vector<1x32768xf32>
      %reduce_sum3A_162 = vector.shape_cast %select_n3A_161 : vector<1x32768xf32> to vector<1x1x32768xf32>
      %reduce_sum3A_163 = arith.constant dense<0.000000e+00> : vector<1xf32>
      %reduce_sum3A_164 = vector.multi_reduction <add>, %reduce_sum3A_162, %reduce_sum3A_163 [1, 2] : vector<1x1x32768xf32> to vector<1xf32>
      %reduce_sum3A_165 = vector.shape_cast %reduce_sum3A_164 : vector<1xf32> to vector<1x1x1xf32>
      %reduce_sum3A_166 = vector.extract %reduce_sum3A_165[0, 0, 0] : f32 from vector<1x1x1xf32>
      %or3A_167 = arith.ori %scan3A_131, %shift_left3A_143 : i32
      %ge3A_168 = vector.broadcast %or3A_167 : i32 to vector<1x32768xi32>
      %ge3A_169 = arith.cmpi sge, %iota3A, %ge3A_168 : vector<1x32768xi32>
      %jit3A_170 = arith.constant 0.000000e+00 : f32
      %broadcast_in_dim3A_171 = vector.broadcast %jit3A_170 : f32 to vector<1x32768xf32>
      %select_n3A_172 = arith.select %ge3A_169, %convert_element_type3A, %broadcast_in_dim3A_171 : vector<1x32768xi1>, vector<1x32768xf32>
      %reduce_sum3A_173 = vector.shape_cast %select_n3A_172 : vector<1x32768xf32> to vector<1x1x32768xf32>
      %reduce_sum3A_174 = arith.constant dense<0.000000e+00> : vector<1xf32>
      %reduce_sum3A_175 = vector.multi_reduction <add>, %reduce_sum3A_173, %reduce_sum3A_174 [1, 2] : vector<1x1x32768xf32> to vector<1xf32>
      %reduce_sum3A_176 = vector.shape_cast %reduce_sum3A_175 : vector<1xf32> to vector<1x1x1xf32>
      %reduce_sum3A_177 = vector.extract %reduce_sum3A_176[0, 0, 0] : f32 from vector<1x1x1xf32>
      %ge3A_178 = arith.cmpf oge, %reduce_sum3A_155, %scan3A : f32
      %or3A_179 = arith.ori %scan3A_131, %shift_left3A_137 : i32
      %or3A_180 = arith.ori %or3A_179, %shift_left3A_143 : i32
      %ge3A_181 = arith.cmpf oge, %reduce_sum3A_166, %scan3A : f32
      %or3A_182 = arith.ori %scan3A_131, %shift_left3A_137 : i32
      %ge3A_183 = arith.cmpf oge, %reduce_sum3A_177, %scan3A : f32
      %or3A_184 = arith.ori %scan3A_131, %shift_left3A_143 : i32
      %select_n3A_185 = arith.select %ge3A_183, %or3A_184, %scan3A_131 : i32
      %select_n3A_186 = arith.select %ge3A_181, %or3A_182, %select_n3A_185 : i32
      %select_n3A_187 = arith.select %ge3A_178, %or3A_180, %select_n3A_186 : i32
      scf.yield %select_n3A_187 : i32
    }
    %scan3A_9 = arith.constant 7 : i32
    %or3A = arith.constant 1 : i32
    %or3A_10 = arith.ori %scan3A_8, %or3A : i32
    %ge3A = vector.broadcast %or3A_10 : i32 to vector<1x32768xi32>
    %ge3A_11 = arith.cmpi sge, %iota3A, %ge3A : vector<1x32768xi32>
    %jit3A = arith.constant 0.000000e+00 : f32
    %broadcast_in_dim3A_12 = vector.broadcast %jit3A : f32 to vector<1x32768xf32>
    %select_n3A = arith.select %ge3A_11, %convert_element_type3A, %broadcast_in_dim3A_12 : vector<1x32768xi1>, vector<1x32768xf32>
    %reduce_sum3A_13 = vector.shape_cast %select_n3A : vector<1x32768xf32> to vector<1x1x32768xf32>
    %reduce_sum3A_14 = arith.constant dense<0.000000e+00> : vector<1xf32>
    %reduce_sum3A_15 = vector.multi_reduction <add>, %reduce_sum3A_13, %reduce_sum3A_14 [1, 2] : vector<1x1x32768xf32> to vector<1xf32>
    %reduce_sum3A_16 = vector.shape_cast %reduce_sum3A_15 : vector<1xf32> to vector<1x1x1xf32>
    %reduce_sum3A_17 = vector.extract %reduce_sum3A_16[0, 0, 0] : f32 from vector<1x1x1xf32>
    %ge3A_18 = arith.constant 6.400000e+05 : f32
    %ge3A_19 = arith.cmpf oge, %reduce_sum3A_17, %ge3A_18 : f32
    %select_n3A_20 = arith.select %ge3A_19, %or3A_10, %scan3A_8 : i32
    %gt3A = vector.broadcast %select_n3A_20 : i32 to vector<1x32768xi32>
    %gt3A_21 = arith.cmpi sgt, %iota3A, %gt3A : vector<1x32768xi32>
    %jit3A_22 = arith.constant 0.000000e+00 : f32
    %broadcast_in_dim3A_23 = vector.broadcast %jit3A_22 : f32 to vector<1x32768xf32>
    %select_n3A_24 = arith.select %gt3A_21, %convert_element_type3A, %broadcast_in_dim3A_23 : vector<1x32768xi1>, vector<1x32768xf32>
    %reduce_sum3A_25 = vector.shape_cast %select_n3A_24 : vector<1x32768xf32> to vector<1x1x32768xf32>
    %reduce_sum3A_26 = arith.constant dense<0.000000e+00> : vector<1xf32>
    %reduce_sum3A_27 = vector.multi_reduction <add>, %reduce_sum3A_25, %reduce_sum3A_26 [1, 2] : vector<1x1x32768xf32> to vector<1xf32>
    %reduce_sum3A_28 = vector.shape_cast %reduce_sum3A_27 : vector<1xf32> to vector<1x1x1xf32>
    %reduce_sum3A_29 = vector.extract %reduce_sum3A_28[0, 0, 0] : f32 from vector<1x1x1xf32>
    %get3A_30 = arith.constant 0 : index
    %get3A_31 = arith.constant 0 : index
    %get3A_32 = vector.load %arg0[%get3A_30, %get3A_31] : memref<8x100096xi32, #tpu.memory_space<vmem>>, vector<8x100096xi32>
    %bitcast_convert_type3A = tpu.bitcast %get3A_32 : vector<8x100096xi32> -> vector<8x100096xf32>
    %shift_right_logical3A = arith.constant 16 : i32
    %shift_right_logical3A_33 = vector.broadcast %shift_right_logical3A : i32 to vector<8x100096xi32>
    %shift_right_logical3A_34 = arith.shrui %get3A_32, %shift_right_logical3A_33 : vector<8x100096xi32>
    %gt3A_35 = vector.broadcast %select_n3A_20 : i32 to vector<8x100096xi32>
    %gt3A_36 = arith.cmpi sgt, %shift_right_logical3A_34, %gt3A_35 : vector<8x100096xi32>
    %jit3A_37 = arith.constant 0.000000e+00 : f32
    %broadcast_in_dim3A_38 = vector.broadcast %jit3A_37 : f32 to vector<8x100096xf32>
    %select_n3A_39 = arith.select %gt3A_36, %bitcast_convert_type3A, %broadcast_in_dim3A_38 : vector<8x100096xi1>, vector<8x100096xf32>
    %reduce_sum3A_40 = vector.shape_cast %select_n3A_39 : vector<8x100096xf32> to vector<1x8x100096xf32>
    %reduce_sum3A_41 = arith.constant dense<0.000000e+00> : vector<1xf32>
    %reduce_sum3A_42 = vector.multi_reduction <add>, %reduce_sum3A_40, %reduce_sum3A_41 [1, 2] : vector<1x8x100096xf32> to vector<1xf32>
    %reduce_sum3A_43 = vector.shape_cast %reduce_sum3A_42 : vector<1xf32> to vector<1x1x1xf32>
    %reduce_sum3A_44 = vector.extract %reduce_sum3A_43[0, 0, 0] : f32 from vector<1x1x1xf32>
    %and3A = arith.constant 65535 : i32
    %and3A_45 = vector.broadcast %and3A : i32 to vector<8x100096xi32>
    %and3A_46 = arith.andi %get3A_32, %and3A_45 : vector<8x100096xi32>
    %eq3A = vector.broadcast %select_n3A_20 : i32 to vector<8x100096xi32>
    %eq3A_47 = arith.cmpi eq, %shift_right_logical3A_34, %eq3A : vector<8x100096xi32>
    %sub3A = arith.constant 32768 : i32
    %sub3A_48 = vector.broadcast %sub3A : i32 to vector<8x100096xi32>
    %sub3A_49 = arith.subi %and3A_46, %sub3A_48 : vector<8x100096xi32>
    %jit3A_50 = arith.constant -32768 : i32
    %broadcast_in_dim3A_51 = vector.broadcast %jit3A_50 : i32 to vector<8x100096xi32>
    %select_n3A_52 = arith.select %eq3A_47, %sub3A_49, %broadcast_in_dim3A_51 : vector<8x100096xi1>, vector<8x100096xi32>
    %convert_element_type3A_53 = arith.trunci %select_n3A_52 : vector<8x100096xi32> to vector<8x100096xi16>
    %swap3A = arith.constant 0 : index
    %swap3A_54 = arith.constant 0 : index
    %swap3A_55 = vector.load %arg4[%swap3A, %swap3A_54] : memref<8x100096xi16, #tpu.memory_space<vmem>>, vector<8x100096xi16>
    tpu.vector_store %arg4[%swap3A, %swap3A_54], %convert_element_type3A_53 {strides = array<i32>} : memref<8x100096xi16, #tpu.memory_space<vmem>>, vector<8x100096xi16>,
    %scan3A_56 = arith.constant 6.400000e+05 : f32
    %scan3A_57 = arith.constant 0 : i32
    %scan3A_58 = arith.constant 0 : i32
    %scan3A_59 = arith.constant 8 : i32
    %scan3A_60 = arith.addi %scan3A_58, %scan3A_59 : i32
    %scan3A_61 = arith.constant 1 : i32
    %scan3A_62 = scf.for %scan3A_130 = %scan3A_58 to %scan3A_60 step %scan3A_61 iter_args(%scan3A_131 = %scan3A_57) -> (i32)  : i32 {
      %mul3A_132 = arith.constant 2 : i32
      %mul3A_133 = arith.muli %mul3A_132, %scan3A_130 : i32
      %sub3A_134 = arith.constant 15 : i32
      %sub3A_135 = arith.subi %sub3A_134, %mul3A_133 : i32
      %shift_left3A_136 = arith.constant 1 : i32
      %shift_left3A_137 = arith.shli %shift_left3A_136, %sub3A_135 : i32
      %mul3A_138 = arith.constant 2 : i32
      %mul3A_139 = arith.muli %mul3A_138, %scan3A_130 : i32
      %sub3A_140 = arith.constant 14 : i32
      %sub3A_141 = arith.subi %sub3A_140, %mul3A_139 : i32
      %shift_left3A_142 = arith.constant 1 : i32
      %shift_left3A_143 = arith.shli %shift_left3A_142, %sub3A_141 : i32
      %get3A_144 = arith.constant 0 : index
      %get3A_145 = arith.constant 0 : index
      %get3A_146 = vector.load %arg4[%get3A_144, %get3A_145] : memref<8x100096xi16, #tpu.memory_space<vmem>>, vector<8x100096xi16>
      %convert_element_type3A_147 = arith.extsi %get3A_146 : vector<8x100096xi16> to vector<8x100096xi32>
      %or3A_148 = arith.ori %scan3A_131, %shift_left3A_137 : i32
      %or3A_149 = arith.ori %or3A_148, %shift_left3A_143 : i32
      %sub3A_150 = arith.constant 32768 : i32
      %sub3A_151 = arith.subi %or3A_149, %sub3A_150 : i32
      %ge3A_152 = vector.broadcast %sub3A_151 : i32 to vector<8x100096xi32>
      %ge3A_153 = arith.cmpi sge, %convert_element_type3A_147, %ge3A_152 : vector<8x100096xi32>
      %jit3A_154 = arith.constant 1.000000e+00 : f32
      %jit3A_155 = arith.constant 0.000000e+00 : f32
      %broadcast_in_dim3A_156 = vector.broadcast %jit3A_154 : f32 to vector<8x100096xf32>
      %broadcast_in_dim3A_157 = vector.broadcast %jit3A_155 : f32 to vector<8x100096xf32>
      %select_n3A_158 = arith.select %ge3A_153, %broadcast_in_dim3A_156, %broadcast_in_dim3A_157 : vector<8x100096xi1>, vector<8x100096xf32>
      %reduce_sum3A_159 = vector.shape_cast %select_n3A_158 : vector<8x100096xf32> to vector<1x8x100096xf32>
      %reduce_sum3A_160 = arith.constant dense<0.000000e+00> : vector<1xf32>
      %reduce_sum3A_161 = vector.multi_reduction <add>, %reduce_sum3A_159, %reduce_sum3A_160 [1, 2] : vector<1x8x100096xf32> to vector<1xf32>
      %reduce_sum3A_162 = vector.shape_cast %reduce_sum3A_161 : vector<1xf32> to vector<1x1x1xf32>
      %reduce_sum3A_163 = vector.extract %reduce_sum3A_162[0, 0, 0] : f32 from vector<1x1x1xf32>
      %add3A_164 = arith.addf %reduce_sum3A_29, %reduce_sum3A_163 : f32
      %or3A_165 = arith.ori %scan3A_131, %shift_left3A_137 : i32
      %sub3A_166 = arith.constant 32768 : i32
      %sub3A_167 = arith.subi %or3A_165, %sub3A_166 : i32
      %ge3A_168 = vector.broadcast %sub3A_167 : i32 to vector<8x100096xi32>
      %ge3A_169 = arith.cmpi sge, %convert_element_type3A_147, %ge3A_168 : vector<8x100096xi32>
      %jit3A_170 = arith.constant 1.000000e+00 : f32
      %jit3A_171 = arith.constant 0.000000e+00 : f32
      %broadcast_in_dim3A_172 = vector.broadcast %jit3A_170 : f32 to vector<8x100096xf32>
      %broadcast_in_dim3A_173 = vector.broadcast %jit3A_171 : f32 to vector<8x100096xf32>
      %select_n3A_174 = arith.select %ge3A_169, %broadcast_in_dim3A_172, %broadcast_in_dim3A_173 : vector<8x100096xi1>, vector<8x100096xf32>
      %reduce_sum3A_175 = vector.shape_cast %select_n3A_174 : vector<8x100096xf32> to vector<1x8x100096xf32>
      %reduce_sum3A_176 = arith.constant dense<0.000000e+00> : vector<1xf32>
      %reduce_sum3A_177 = vector.multi_reduction <add>, %reduce_sum3A_175, %reduce_sum3A_176 [1, 2] : vector<1x8x100096xf32> to vector<1xf32>
      %reduce_sum3A_178 = vector.shape_cast %reduce_sum3A_177 : vector<1xf32> to vector<1x1x1xf32>
      %reduce_sum3A_179 = vector.extract %reduce_sum3A_178[0, 0, 0] : f32 from vector<1x1x1xf32>
      %add3A_180 = arith.addf %reduce_sum3A_29, %reduce_sum3A_179 : f32
      %or3A_181 = arith.ori %scan3A_131, %shift_left3A_143 : i32
      %sub3A_182 = arith.constant 32768 : i32
      %sub3A_183 = arith.subi %or3A_181, %sub3A_182 : i32
      %ge3A_184 = vector.broadcast %sub3A_183 : i32 to vector<8x100096xi32>
      %ge3A_185 = arith.cmpi sge, %convert_element_type3A_147, %ge3A_184 : vector<8x100096xi32>
      %jit3A_186 = arith.constant 1.000000e+00 : f32
      %jit3A_187 = arith.constant 0.000000e+00 : f32
      %broadcast_in_dim3A_188 = vector.broadcast %jit3A_186 : f32 to vector<8x100096xf32>
      %broadcast_in_dim3A_189 = vector.broadcast %jit3A_187 : f32 to vector<8x100096xf32>
      %select_n3A_190 = arith.select %ge3A_185, %broadcast_in_dim3A_188, %broadcast_in_dim3A_189 : vector<8x100096xi1>, vector<8x100096xf32>
      %reduce_sum3A_191 = vector.shape_cast %select_n3A_190 : vector<8x100096xf32> to vector<1x8x100096xf32>
      %reduce_sum3A_192 = arith.constant dense<0.000000e+00> : vector<1xf32>
      %reduce_sum3A_193 = vector.multi_reduction <add>, %reduce_sum3A_191, %reduce_sum3A_192 [1, 2] : vector<1x8x100096xf32> to vector<1xf32>
      %reduce_sum3A_194 = vector.shape_cast %reduce_sum3A_193 : vector<1xf32> to vector<1x1x1xf32>
      %reduce_sum3A_195 = vector.extract %reduce_sum3A_194[0, 0, 0] : f32 from vector<1x1x1xf32>
      %add3A_196 = arith.addf %reduce_sum3A_29, %reduce_sum3A_195 : f32
      %ge3A_197 = arith.cmpf oge, %add3A_164, %scan3A_56 : f32
      %or3A_198 = arith.ori %scan3A_131, %shift_left3A_137 : i32
      %or3A_199 = arith.ori %or3A_198, %shift_left3A_143 : i32
      %ge3A_200 = arith.cmpf oge, %add3A_180, %scan3A_56 : f32
      %or3A_201 = arith.ori %scan3A_131, %shift_left3A_137 : i32
      %ge3A_202 = arith.cmpf oge, %add3A_196, %scan3A_56 : f32
      %or3A_203 = arith.ori %scan3A_131, %shift_left3A_143 : i32
      %select_n3A_204 = arith.select %ge3A_202, %or3A_203, %scan3A_131 : i32
      %select_n3A_205 = arith.select %ge3A_200, %or3A_201, %select_n3A_204 : i32
      %select_n3A_206 = arith.select %ge3A_197, %or3A_199, %select_n3A_205 : i32
      scf.yield %select_n3A_206 : i32
    }
    %scan3A_63 = arith.constant 8 : i32
    %get3A_64 = arith.constant 0 : index
    %get3A_65 = arith.constant 0 : index
    %get3A_66 = vector.load %arg4[%get3A_64, %get3A_65] : memref<8x100096xi16, #tpu.memory_space<vmem>>, vector<8x100096xi16>
    %convert_element_type3A_67 = arith.extsi %get3A_66 : vector<8x100096xi16> to vector<8x100096xi32>
    %sub3A_68 = arith.constant 32768 : i32
    %sub3A_69 = arith.subi %scan3A_62, %sub3A_68 : i32
    %gt3A_70 = vector.broadcast %sub3A_69 : i32 to vector<8x100096xi32>
    %gt3A_71 = arith.cmpi sgt, %convert_element_type3A_67, %gt3A_70 : vector<8x100096xi32>
    %and3A_72 = arith.constant 65535 : i32
    %and3A_73 = vector.broadcast %and3A_72 : i32 to vector<8x100096xi32>
    %and3A_74 = arith.andi %convert_element_type3A_67, %and3A_73 : vector<8x100096xi32>
    %xor3A = arith.constant 32768 : i32
    %xor3A_75 = vector.broadcast %xor3A : i32 to vector<8x100096xi32>
    %xor3A_76 = arith.xori %and3A_74, %xor3A_75 : vector<8x100096xi32>
    %shift_left3A = arith.constant 16 : i32
    %shift_left3A_77 = arith.shli %select_n3A_20, %shift_left3A : i32
    %or3A_78 = vector.broadcast %shift_left3A_77 : i32 to vector<8x100096xi32>
    %or3A_79 = arith.ori %or3A_78, %xor3A_76 : vector<8x100096xi32>
    %bitcast_convert_type3A_80 = tpu.bitcast %or3A_79 : vector<8x100096xi32> -> vector<8x100096xf32>
    %jit3A_81 = arith.constant 0.000000e+00 : f32
    %broadcast_in_dim3A_82 = vector.broadcast %jit3A_81 : f32 to vector<8x100096xf32>
    %select_n3A_83 = arith.select %gt3A_71, %bitcast_convert_type3A_80, %broadcast_in_dim3A_82 : vector<8x100096xi1>, vector<8x100096xf32>
    %reduce_sum3A_84 = vector.shape_cast %select_n3A_83 : vector<8x100096xf32> to vector<1x8x100096xf32>
    %reduce_sum3A_85 = arith.constant dense<0.000000e+00> : vector<1xf32>
    %reduce_sum3A_86 = vector.multi_reduction <add>, %reduce_sum3A_84, %reduce_sum3A_85 [1, 2] : vector<1x8x100096xf32> to vector<1xf32>
    %reduce_sum3A_87 = vector.shape_cast %reduce_sum3A_86 : vector<1xf32> to vector<1x1x1xf32>
    %reduce_sum3A_88 = vector.extract %reduce_sum3A_87[0, 0, 0] : f32 from vector<1x1x1xf32>
    %add3A = arith.addf %reduce_sum3A_44, %reduce_sum3A_88 : f32
    %jit3A_89 = arith.constant 1.000000e+00 : f32
    %jit3A_90 = arith.constant 0.000000e+00 : f32
    %broadcast_in_dim3A_91 = vector.broadcast %jit3A_89 : f32 to vector<8x100096xf32>
    %broadcast_in_dim3A_92 = vector.broadcast %jit3A_90 : f32 to vector<8x100096xf32>
    %select_n3A_93 = arith.select %gt3A_71, %broadcast_in_dim3A_91, %broadcast_in_dim3A_92 : vector<8x100096xi1>, vector<8x100096xf32>
    %reduce_sum3A_94 = vector.shape_cast %select_n3A_93 : vector<8x100096xf32> to vector<1x8x100096xf32>
    %reduce_sum3A_95 = arith.constant dense<0.000000e+00> : vector<1xf32>
    %reduce_sum3A_96 = vector.multi_reduction <add>, %reduce_sum3A_94, %reduce_sum3A_95 [1, 2] : vector<1x8x100096xf32> to vector<1xf32>
    %reduce_sum3A_97 = vector.shape_cast %reduce_sum3A_96 : vector<1xf32> to vector<1x1x1xf32>
    %reduce_sum3A_98 = vector.extract %reduce_sum3A_97[0, 0, 0] : f32 from vector<1x1x1xf32>
    %add3A_99 = arith.addf %reduce_sum3A_29, %reduce_sum3A_98 : f32
    %shift_left3A_100 = arith.constant 16 : i32
    %shift_left3A_101 = arith.shli %select_n3A_20, %shift_left3A_100 : i32
    %or3A_102 = arith.ori %shift_left3A_101, %scan3A_62 : i32
    %broadcast_in_dim3A_103 = vector.broadcast %or3A_102 : i32 to vector<1x128xi32>
    %bitcast_convert_type3A_104 = tpu.bitcast %broadcast_in_dim3A_103 : vector<1x128xi32> -> vector<1x128xf32>
    %reduce_max3A = vector.shape_cast %bitcast_convert_type3A_104 : vector<1x128xf32> to vector<1x1x128xf32>
    %reduce_max3A_105 = arith.constant dense<0xFF800000> : vector<1xf32>
    %reduce_max3A_106 = vector.multi_reduction <maximumf>, %reduce_max3A, %reduce_max3A_105 [1, 2] : vector<1x1x128xf32> to vector<1xf32>
    %reduce_max3A_107 = vector.shape_cast %reduce_max3A_106 : vector<1xf32> to vector<1x1x1xf32>
    %reduce_max3A_108 = vector.extract %reduce_max3A_107[0, 0, 0] : f32 from vector<1x1x1xf32>
    %sub3A_109 = arith.constant 6.400000e+05 : f32
    %sub3A_110 = arith.subf %sub3A_109, %add3A_99 : f32
    %mul3A = arith.mulf %sub3A_110, %reduce_max3A_108 : f32
    %add3A_111 = arith.addf %add3A, %mul3A : f32
    %div3A = arith.constant 6.400000e+05 : f32
    %div3A_112 = arith.divf %add3A_111, %div3A : f32
    %get3A_113 = arith.constant 0 : index
    %get3A_114 = arith.constant 0 : index
    %get3A_115 = memref.load %arg2[%get3A_113, %get3A_114] : memref<1x1xf32, #tpu.memory_space<smem>>
    %mul3A_116 = arith.constant 1.000000e+00 : f32
    %mul3A_117 = arith.mulf %mul3A_116, %div3A_112 : f32
    %mul3A_118 = arith.constant 1.000000e+01 : f32
    %mul3A_119 = arith.mulf %mul3A_118, %get3A_115 : f32
    %add3A_120 = arith.addf %mul3A_117, %mul3A_119 : f32
    %swap3A_121 = arith.constant 0 : index
    %swap3A_122 = arith.constant 0 : index
    %swap3A_123 = memref.load %arg3[%swap3A_121, %swap3A_122] : memref<1x3xf32, #tpu.memory_space<smem>>
    memref.store %add3A_120, %arg3[%swap3A_121, %swap3A_122] : memref<1x3xf32, #tpu.memory_space<smem>>
    %swap3A_124 = arith.constant 0 : index
    %swap3A_125 = arith.constant 1 : index
    %swap3A_126 = memref.load %arg3[%swap3A_124, %swap3A_125] : memref<1x3xf32, #tpu.memory_space<smem>>
    memref.store %div3A_112, %arg3[%swap3A_124, %swap3A_125] : memref<1x3xf32, #tpu.memory_space<smem>>
    %swap3A_127 = arith.constant 0 : index
    %swap3A_128 = arith.constant 2 : index
    %swap3A_129 = memref.load %arg3[%swap3A_127, %swap3A_128] : memref<1x3xf32, #tpu.memory_space<smem>>
    memref.store %get3A_115, %arg3[%swap3A_127, %swap3A_128] : memref<1x3xf32, #tpu.memory_space<smem>>
    return
  }
}

</mosaic_0001>

<sc_bundles>
// kernel: kernel.5.cloned.1.call-start
scs
__scs_entry_jumppad:
0x0: {  	(pc) =	sbr.rel $0x88, $3  }
0x1: {  	(tag) =	ssettag $0x0;
	lr =	simm.s32 $0x1  }
0x2: {  	[smem:$0x3F9E] =	sst lr;
	_ =	strace $0xD0000000  }
0x3: {  	_ = 	snop  }
0x4: {  	_ = 	snop  }
0x5: {  	_ = 	snop  }
0x6: {  	_ = 	snop  }
0x7: {  	_ = 	snop  }
__scs_overlays_trampoline_lowered:
0x8: {  	[smem:$0x3FAD] =	sst s0  }
0x9: {  	[smem:$0x3FAE] =	sst s1  }
0xa: {  	[smem:$0x3FAF] =	sst s2  }
0xb: {  	[smem:$0x3FB0] =	sst s3  }
0xc: {  	[smem:$0x3FB1] =	sst s4  }
0xd: {  	[smem:$0x3FB2] =	sst s5  }
0xe: {  	[smem:$0x3FB3] =	sst s6  }
0xf: {  	[smem:$0x3FB4] =	sst s7  }
0x10: {  	[smem:$0x3FB5] =	sst s8  }
0x11: {  	[smem:$0x3FB6] =	sst s9;
	s0 =	simm.s32 @!p0 $0x0  }
0x12: {  	s1 =	sld [smem:$0x3F9C];
	s0 =	simm.s32 @p0 $0x1  }
0x13: {  	[smem:$0x3FB7] =	sst s0;
	s0 =	simm.s32 @!p1 $0x0  }
0x14: {  	s2 =	sld [smem:$0x3F9B];
	s0 =	simm.s32 @p1 $0x1  }
0x15: {  	[smem:$0x3FB8] =	sst s0;
	s0 =	simm.s32 @!p2 $0x0  }
0x16: {  	s3 =	sld [smem:$0x3FDB];
	s0 =	simm.s32 @p2 $0x1  }
0x17: {  	s4 =	simm.s32 $0x1BF5;
	[smem:$0x3FBA] =	sst s0  }
0x18: {  	s0 =	sld [smem:$0x3F9D];
	_ =	swait.ge [sflag:s4], $0x0  }
0x19: {  	s7 =	sld [smem:$0x3F9E]  }
0x1a: {  	s8 =	sadd.s32 $0xFFFFE003, lr  }
0x1b: {  	s9 =	sadd.s32 $0xFFFFFEF7, lr;
	s5 =	simm.s32 $0xFFFFFFFF;
	p2 =	slt.u32 s8, $0xFFFFF086  }
0x1c: {  	p1 =	slt.u32 s9, $0xF7A;
	s5 =	simm.s32 @!p2 $0x0  }
0x1d: {  	s5 =	simm.s32 @p1 $0x1;
	p0 =	seq.s32 s7, s2  }
0x1e: {  	s7 =	smul.u32 @!p0 $0xF7A, s2;
	p2 =	seq.s32 @!p0 s5, $0x0  }
0x1f: {  	s9 =	smul.u32 $0xF7A, s1;
	s8 =	simm.s32 @!p0 $0x1BF5;
	p2 =	por !p2, p0  }
0x20: {  	[sflag:s8] =	ssyncset.s32 @!p0 $0xFFFFF086;
	s6 =	sadd.s32 @!p0 s3, s7;
	s7 =	simm.s32 @!p0 $0x108  }
0x21: {  	s3 =	sadd.s32 s3, s9;
	s6 =	sadd.s32 @!p0 $0x88, s6;
	s7 =	simm.s32 @p2 $0x1082  }
0x22: {  	[simem:s7], [sflag:s8] =	dma.local @!p0 [hbm:s6], $0xF7A  }
0x23: {  	s9 =	sor.u32 $0xD0000000, s2;
	s6 =	simm.s32 $0x108;
	_ =	swait.ge @!p0 [sflag:s8], $0x0  }
0x24: {  	s3 =	sadd.s32 $0x88, s3;
	s6 =	simm.s32 @!p1 $0x1082;
	[sflag:s4] =	ssyncset.s32 $0xFFFFF086  }
0x25: {  	[simem:s6], [sflag:s4] =	dma.local [hbm:s3], $0xF7A  }
0x26: {  	[smem:$0x3F9E] =	sst s1;
	(tag) =	ssettag s2;
	_ =	strace s9  }
0x27: {  	s1 =	sld [smem:$0x3FAE]  }
0x28: {  	s2 =	sld [smem:$0x3FAF]  }
0x29: {  	s4 =	sld [smem:$0x3FB1]  }
0x2a: {  	p0 =	seq.s32 s5, $0x0;
	s5 =	sld [smem:$0x3FB2]  }
0x2b: {  	s6 =	sld [smem:$0x3FB3]  }
0x2c: {  	s7 =	sld [smem:$0x3FB4]  }
0x2d: {  	s3 =	simm.s32 $0x108;
	s8 =	sld [smem:$0x3FB5]  }
0x2e: {  	s3 =	simm.s32 @!p0 $0x1082;
	s9 =	sld [smem:$0x3FB6]  }
0x2f: {  	lr =	sadd.s32 s0, s3;
	s0 =	sld [smem:$0x3FAD]  }
0x30: {  	s3 =	sld [smem:$0x3FB0]  }
0x31: {  	[smem:$0x3FB9] =	sst s10  }
0x32: {  	s10 =	sld [smem:$0x3FB7];
	_ =	sdelay $0x3  }
0x33: {  	p0 =	seq.s32 s10, $0x1;
	s10 =	sld [smem:$0x3FB9];
	_ =	sdelay $0x3  }
0x34: {  	[smem:$0x3FB9] =	sst s10  }
0x35: {  	s10 =	sld [smem:$0x3FB8];
	_ =	sdelay $0x3  }
0x36: {  	p1 =	seq.s32 s10, $0x1;
	s10 =	sld [smem:$0x3FB9];
	_ =	sdelay $0x3  }
0x37: {  	[smem:$0x3FB9] =	sst s10  }
0x38: {  	s10 =	sld [smem:$0x3FBA]  }
0x39: {  	_ = 	snop;
	(pc) =	sbr.ind lr, $3  }
0x3a: {  	_ = 	snop  }
0x3b: {  	_ = 	snop  }
0x3c: {  	p2 =	seq.s32 s10, $0x1;
	s10 =	sld [smem:$0x3FB9]  }
0x3d: {  	_ =	shalt  }
0x3e: {  	_ =	shalt  }
0x3f: {  	_ =	shalt  }
0x40: {  	_ =	shalt  }
0x41: {  	_ =	shalt  }
0x42: {  	_ =	shalt  }
0x43: {  	_ =	shalt  }
0x44: {  	_ =	shalt  }
0x45: {  	_ =	shalt  }
0x46: {  	_ =	shalt  }
0x47: {  	_ =	shalt  }
0x48: {  	_ =	shalt  }
0x49: {  	_ =	shalt  }
0x4a: {  	_ =	shalt  }
0x4b: {  	_ =	shalt  }
0x4c: {  	_ =	shalt  }
0x4d: {  	_ =	shalt  }
0x4e: {  	_ =	shalt  }
0x4f: {  	_ =	shalt  }
0x50: {  	_ =	shalt  }
0x51: {  	_ =	shalt  }
0x52: {  	_ =	shalt  }
0x53: {  	_ =	shalt  }
0x54: {  	_ =	shalt  }
0x55: {  	_ =	shalt  }
0x56: {  	_ =	shalt  }
0x57: {  	_ =	shalt  }
0x58: {  	_ =	shalt  }
0x59: {  	_ =	shalt  }
0x5a: {  	_ =	shalt  }
0x5b: {  	_ =	shalt  }
0x5c: {  	_ =	shalt  }
0x5d: {  	_ =	shalt  }
0x5e: {  	_ =	shalt  }
0x5f: {  	_ =	shalt  }
0x60: {  	_ =	shalt  }
0x61: {  	_ =	shalt  }
0x62: {  	_ =	shalt  }
0x63: {  	_ =	shalt  }
0x64: {  	_ =	shalt  }
0x65: {  	_ =	shalt  }
0x66: {  	_ =	shalt  }
0x67: {  	_ =	shalt  }
0x68: {  	_ =	shalt  }
0x69: {  	_ =	shalt  }
0x6a: {  	_ =	shalt  }
0x6b: {  	_ =	shalt  }
0x6c: {  	_ =	shalt  }
0x6d: {  	_ =	shalt  }
0x6e: {  	_ =	shalt  }
0x6f: {  	_ =	shalt  }
0x70: {  	_ =	shalt  }
0x71: {  	_ =	shalt  }
0x72: {  	_ =	shalt  }
0x73: {  	_ =	shalt  }
0x74: {  	_ =	shalt  }
0x75: {  	_ =	shalt  }
0x76: {  	_ =	shalt  }
0x77: {  	_ =	shalt  }
0x78: {  	_ =	shalt  }
0x79: {  	_ =	shalt  }
0x7a: {  	_ =	shalt  }
0x7b: {  	_ =	shalt  }
0x7c: {  	_ =	shalt  }
0x7d: {  	_ =	shalt  }
0x7e: {  	_ =	shalt  }
0x7f: {  	_ =	shalt  }
0x80: {  	_ =	shalt  }
0x81: {  	_ =	shalt  }
0x82: {  	_ =	shalt  }
0x83: {  	_ =	shalt  }
0x84: {  	_ =	shalt  }
0x85: {  	_ =	shalt  }
0x86: {  	_ =	shalt  }
0x87: {  	_ =	shalt  }
.Lfunc_end0:
.L_simem_size_0:
called_computation_lowered:
.L_overlay_start_0:
0x88: {  	s2 =	sld [smem:$0x3FD9]  }
0x89: {  	s3 =	sld [smem:$0x3FFE];
	_ =	sdelay $0x1  }
0x8a: {  	s1 =	srdreg.scid  }
0x8b: {  	s0 =	sand.u32 $0x1, s1  }
0x8c: {  	s16 =	sshll.u32 s0, $0xA;
	s2 =	sadd.s32 s3, s2  }
0x8d: {  	s2 =	sadd.s32 s2, s16  }
0x8e: {  	[smem:$0x3FC5] =	sst s2  }
0x8f: {  	_ = 	snop  }
0x90: {  	(tm) =	ssettm $0x1  }
0x91: {  	s17 =	sld [smem:$0x3FFB];
	_ =	sdelay $0x3  }
0x92: {  	_ =	strace s17  }
0x93: {  	s2 =	sld [smem:$0x3FFC];
	_ =	sdelay $0x3  }
0x94: {  	_ =	strace s2  }
0x95: {  	s2 =	sld [smem:$0x3FFD];
	_ =	sdelay $0x3  }
0x96: {  	_ =	strace s2  }
0x97: {  	_ =	strace $0x8FFFFFFF  }
0x98: {  	s18 =	sld [smem:$0x3FDB];
	_ =	sdelay $0x1  }
0x99: {  	s19 =	simm.s32 $_scs_section_size  }
0x9a: {  	s4 =	simm.s32 $_size__tile_overlayer_lowered;
	s5 =	simm.s32 $_tile_overlayer_lowered  }
0x9b: {  	s22 =	simm.s32 $0x1BFF;
	s21 =	sshll.u32 s5, $0x1;
	s2 =	sadd.s32 s19, s18  }
0x9c: {  	s6 =	simm.s32 $0x0;
	s20 =	sshll.u32 s4, $0x1;
	s4 =	sadd.s32 s21, s2  }
0x9d: {  	[timem:s6], [sflag:s22] =	dma.local [hbm:s4], s20  }
0x9e: {  	_ =	swait.ge [sflag:s22], s20  }
0x9f: {  	s3 =	ssub.s32 $0x0, s20;
	[sflag:s22] =	ssyncset.done $0x0  }
0xa0: {  	[sflag:s22] =	ssyncadd.s32 s3;
	_ =	sdelay $0x1  }
0xa1: {  	s23 =	simm.s32 $0x1B8B  }
0xa2: {  	_ =	swait.ge [sflag:s23], $0x1  }
0xa3: {  	[sflag:s23] =	ssyncset.done $0x0  }
0xa4: {  	s25 =	simm.s32 $0x1B8E;
	s24 =	sld [smem:$0x3FFE];
	[sflag:s23] =	ssyncadd.s32 $0xFFFFFFFF  }
0xa5: {  	s26 =	simm.s32 $execute0_lowered;
	[smem:$0x3FD2] =	sst s25  }
0xa6: {  	s4 =	sshll.u32 s26, $0x1;
	_ =	strace $0x80000046;
	[dreg:$0x1] =	wrdreg $0xFFFFFFFF  }
0xa7: {  	s28 =	simm.s32 $_size_execute0_lowered;
	s2 =	sadd.s32 s2, s4;
	[dreg:$0x0] =	wrdreg $0x0  }
0xa8: {  	s4 =	sshll.u32 s28, $0x1;
	[dreg:$0x2] =	wrdreg s2  }
0xa9: {  	[dreg:$0x3] =	wrdreg s4  }
0xaa: {  	[dreg:$0x4] =	wrdreg $0xC0  }
0xab: {  	_ =	task [dreg:s6], $0x5FFFF  }
0xac: {  	[dreg:$0x1] =	wrdreg $0xFFFFFFFF  }
0xad: {  	[dreg:$0x0] =	wrdreg $0x60  }
0xae: {  	[dreg:$0x2] =	wrdreg s24  }
0xaf: {  	[dreg:$0x3] =	wrdreg $0x9  }
0xb0: {  	_ =	task.clear_ibuf [dreg:s6], $0x4FFFF;
	_ =	strace $0x90000046  }
0xb1: {  	s29 =	simm.s32 $0x9;
	_ =	strace $0x80000048  }
0xb2: {  	_ =	swait.ge [sflag:s29], $0x1  }
0xb3: {  	[sflag:s29] =	ssyncadd.s32 $0xFFFFFFFF  }
0xb4: {  	_ =	strace $0x90000048  }
0xb5: {  	_ =	sfence  }
0xb6: {  	s30 =	sld [smem:$0x0];
	_ =	sdelay $0x2  }
0xb7: {  	s31 =	sshll.u32 s1, $0xD;
	s1 =	sshrl.u32 s1, $0x2  }
0xb8: {  	s3 =	sand.u32 $0x4000, s31;
	s1 =	sadd.s32 s1, s30  }
0xb9: {  	s0 =	sor.u32 s3, s0;
	s1 =	sshll.u32 s1, $0x11  }
0xba: {  	s0 =	sor.u32 s1, s0  }
0xbb: {  	s0 =	sadd.s32 $0x8F2B, s0  }
0xbc: {  	[sflag:s0] =	ssyncadd.remote.s32 $0x1  }
0xbd: {  	_ =	sfence.sel $0xFFFF  }
0xbe: {  	[dreg:$0x0] =	wrdreg $0xFFFFFFFF;
	(pc) =	sbr.abs _section_cstart, $3  }
0xbf: {  	[dreg:$0x1] =	wrdreg $0xFFFFFFFF  }
0xc0: {  	_ =	task.clear_ibuf [dreg:s6], $0x2FFFF;
	_ =	strace $0x9FFFFFFF  }
0xc1: {  	(tm) =	ssettm $0x7FFFFFFF  }
tec
execute0_lowered:
.L_overlay_start_1:
0x0: {  	(tag) =	ssettag $0x1  }
0x1: {  	s3 =	rddreg [dreg:$0x0];
	s1 =	srdreg.scid  }
0x2: {  	s0 =	rddreg [dreg:$0x1];
	s2 =	simm.s32 $0x0;
	s8 =	simm.s32 $0x80  }
0x3: {  	s9 =	simm.s32 $0x400;
	s10 =	simm.s32 $0x0;
	s4 =	sand.u32 $0x1, s1  }
0x4: {  	[smem:$0x7FF] =	sst s2;
	s1 =	stileid.u32;
	s5 =	sshll.u32 s4, $0x4  }
0x5: {  	_ =	strace $0x80000047;
	s6 =	sshll.u32 s1, $0x4;
	s5 =	sor.u32 s1, s5  }
0x6: {  	s4 =	ssub.s32 $0x2, s4;
	s6 =	sand.u32 $0x70, s6;
	s7 =	smul.u32 $0xC38, s5  }
0x7: {  	s30 =	sshrl.u32 s4, $0x1;
	s5 =	sshll.u32 s5, $0xC;
	s6 =	sadd.s32 s6, s3  }
0x8: {  	s31 =	ssub.s32 s4, s30;
	s5 =	sand.u32 $0x18000, s5;
	s3 =	sadd.s32 s7, s3  }
0x9: {  	s5 =	sadd.s32 s5, s6;
	s6 =	simm.s32 $0x1;
	s7 =	simm.s32 $0x6200  }
0xa: {  	v0 =	vimm.s32 $0x0;
	s3 =	sadd.s32 $0x1000, s3;
	s4 =	sadd.s32 $0x19800, s5;
	s5 =	smax.u32 s31, $0x1  }
.LBB2_1:
0xb: {  	s11 =	simm.s32 $0x6240  }
0xc: {  	[tilespmem:s11+$0xFFFFFFC0] =	vst v0  }
0xd: {  	[tilespmem:s11+$0x30] =	vst v0  }
0xe: {  	[tilespmem:s11+$0x20] =	vst v0  }
0xf: {  	[tilespmem:s11+$0x10] =	vst v0  }
0x10: {  	[tilespmem:s11+$0x0] =	vst v0  }
0x11: {  	[tilespmem:s11+$0xFFFFFFF0] =	vst v0  }
0x12: {  	s12 =	simm.s32 $0x0;
	[tilespmem:s11+$0xFFFFFFE0] =	vst v0  }
.LBB2_2:
0x13: {  	s12 =	sadd.s32 $0x8, s12;
	[tilespmem:s11+$0xFFFFFFD0] =	vst v0;
	s11 =	sadd.s32 $0x80, s11  }
0x14: {  	[tilespmem:s11+$0xFFFFFFC0] =	vst v0;
	p0 =	slt.u32 s12, $0x7F8  }
0x15: {  	[tilespmem:s11+$0x30] =	vst v0  }
.Ltmp0:
0x16: {  	[tilespmem:s11+$0x20] =	vst v0;
	(pc) =	sbr.rel @p0 .LBB2_2-.Ltmp0, $4  }
0x17: {  	[tilespmem:s11+$0x10] =	vst v0  }
0x18: {  	[tilespmem:s11+$0x0] =	vst v0  }
0x19: {  	[tilespmem:s11+$0xFFFFFFF0] =	vst v0  }
0x1a: {  	[tilespmem:s11+$0xFFFFFFE0] =	vst v0  }
0x1b: {  	[tilespmem:s11+$0xFFFFFFD0] =	vst v0  }
0x1c: {  	[tilespmem:s2], [sflag:$0x1] =	stream.linear.gather [hbm4b:s3+s2], $0x61C0, $0x38;
	[tilespmem:$0xE200] =	vst v63  }
0x1d: {  	_ =	swait.ge [sflag:s6], $0x61C0  }
0x1e: {  	[sflag:s6] =	ssyncset.done $0x0  }
0x1f: {  	s30 =	simm.s32 $0x20;
	[sflag:s6] =	ssyncadd.s32 $0xFFFF9E40  }
0x20: {  	v1 =	vld [tilespmem:s30+$0x10]  }
0x21: {  	v3 =	vld [tilespmem:s30+$0xFFFFFFF0];
	_ =	sdelay $0x1  }
0x22: {  	v4 =	vld [tilespmem:s30+$0x0];
	_ =	sdelay $0x1  }
0x23: {  	v2 =	vshrl.u32 v1, $0x10  }
0x24: {  	v3 =	vshrl.u32 v3, $0x10;
	(xrf1) =	vunique.msk.u32 $0xffff, v2  }
0x25: {  	(xrf1) =	vunique.msk.u32 $0xffff, v3  }
0x26: {  	v1 =	vshrl.u32 v4, $0x10;
	v4 =	vld [tilespmem:s30+$0xFFFFFFE0]  }
0x27: {  	s31 =	simm.s32 $0x60  }
0x28: {  	v5 =	vld [tilespmem:s31+$0x10]  }
0x29: {  	v7 =	vld [tilespmem:s31+$0xFFFFFFF0]  }
0x2a: {  	v8 =	vld [tilespmem:s31+$0x0]  }
0x2b: {  	s12 =	simm.s32 $0xA0;
	v9 =	vld [tilespmem:s31+$0xFFFFFFE0];
	(xrf1) =	vunique.msk.u32 $0xffff, v1;
	v6 =	vshrl.u32 v4, $0x10  }
0x2c: {  	v10 =	vld [tilespmem:s12+$0x10];
	(xrf1) =	vunique.msk.u32 $0xffff, v6  }
0x2d: {  	v12 =	vld [tilespmem:s12+$0xFFFFFFF0];
	v4 =	vshrl.u32 v5, $0x10  }
0x2e: {  	v5 =	vshrl.u32 v7, $0x10;
	(xrf1) =	vunique.msk.u32 $0xffff, v4  }
0x2f: {  	v7 =	vshrl.u32 v8, $0x10;
	(xrf1) =	vunique.msk.u32 $0xffff, v5  }
0x30: {  	v8 =	vshrl.u32 v9, $0x10;
	(xrf1) =	vunique.msk.u32 $0xffff, v7  }
0x31: {  	v10 =	vshrl.u32 v10, $0x10;
	(xrf1) =	vunique.msk.u32 $0xffff, v8  }
0x32: {  	v9 =	vshrl.u32 v12, $0x10;
	_, v13, vm2 =	vpop (xrf1);
	(xrf1) =	vunique.msk.u32 $0xffff, v10  }
0x33: {  	_, v11, vm0 =	vpop (xrf1);
	(xrf1) =	vunique.msk.u32 $0xffff, v9;
	_ =	sdelay $0x1  }
0x34: {  	v14 =	vld [tilespmem:s12+$0x0]  }
0x35: {  	v15 =	vld [tilespmem:s12+$0xFFFFFFE0];
	_ =	sdelay $0x2  }
0x36: {  	s11 =	simm.s32 $0x8;
	s12 =	simm.s32 $0xE0;
	_, v12, vm1 =	vpop (xrf1)  }
.LBB2_4:
0x37: {  	v16 =	vld [tilespmem:s12+$0x10];
	s11 =	sadd.s32 $0x4, s11;
	v17 =	vshrl.u32 v14, $0x10;
	_, v18, vm3 =	vpop (xrf1)  }
0x38: {  	v19 =	vld [tilespmem:s12+$0xFFFFFFF0];
	p0 =	slt.u32 s11, $0x618;
	v20 =	vshrl.u32 v15, $0x10;
	(xrf1) =	vunique.msk.u32 $0xffff, v17  }
0x39: {  	(xrf1) =	vunique.msk.u32 $0xffff, v20;
	[tilespmem:v2+s7+$0x0] =	vst.idx.add.s32.msk vm2, v13;
	v2 =	vmov v4;
	v4 =	vmov v10  }
.Ltmp1:
0x3a: {  	v14 =	vld [tilespmem:s12+$0x0];
	(pc) =	sbr.rel @p0 .LBB2_4-.Ltmp1, $4  }
0x3b: {  	v15 =	vld [tilespmem:s12+$0xFFFFFFE0];
	_, v13, vm2 =	vpop (xrf1)  }
0x3c: {  	v10 =	vshrl.u32 v16, $0x10;
	[tilespmem:v3+s7+$0x0] =	vst.idx.add.s32.msk vm0, v11;
	_, v11, vm0 =	vpop (xrf1);
	v3 =	vmov v5;
	v5 =	vmov v9  }
0x3d: {  	v9 =	vshrl.u32 v19, $0x10;
	(xrf1) =	vunique.msk.u32 $0xffff, v10;
	[tilespmem:v6+s7+$0x0] =	vst.idx.add.s32.msk vm3, v18;
	v6 =	vmovc v8;
	v8 =	vmov v20  }
0x3e: {  	s12 =	sadd.s32 $0x40, s12;
	(xrf1) =	vunique.msk.u32 $0xffff, v9;
	[tilespmem:v1+s7+$0x0] =	vst.idx.add.s32.msk vm1, v12;
	_, v12, vm1 =	vpop (xrf1);
	v1 =	vmov v7;
	v7 =	vmov v17  }
0x3f: {  	v14 =	vshrl.u32 v14, $0x10  }
0x40: {  	v15 =	vshrl.u32 v15, $0x10;
	(xrf1) =	vunique.msk.u32 $0xffff, v14  }
0x41: {  	(xrf1) =	vunique.msk.u32 $0xffff, v15;
	_ =	sdelay $0x5  }
0x42: {  	_, v16, vm3 =	vpop (xrf1)  }
0x43: {  	_, v17, vm4 =	vpop (xrf1)  }
0x44: {  	_, v18, vm5 =	vpop (xrf1)  }
0x45: {  	[tilespmem:v2+s7+$0x0] =	vst.idx.add.s32.msk vm2, v13;
	_, v19, vm6 =	vpop (xrf1)  }
0x46: {  	[tilespmem:v3+s7+$0x0] =	vst.idx.add.s32.msk vm0, v11;
	_, v2, vm2 =	vpop (xrf1)  }
0x47: {  	[tilespmem:v1+s7+$0x0] =	vst.idx.add.s32.msk vm1, v12;
	_, v3, vm0 =	vpop (xrf1)  }
0x48: {  	[tilespmem:v6+s7+$0x0] =	vst.idx.add.s32.msk vm3, v16;
	_, v6, vm3 =	vpop (xrf1)  }
0x49: {  	[tilespmem:v4+s7+$0x0] =	vst.idx.add.s32.msk vm4, v17;
	_, v1, vm1 =	vpop (xrf1)  }
0x4a: {  	[tilespmem:v5+s7+$0x0] =	vst.idx.add.s32.msk vm5, v18;
	_, v4, vm4 =	vpop (xrf1)  }
0x4b: {  	[tilespmem:v7+s7+$0x0] =	vst.idx.add.s32.msk vm6, v19  }
0x4c: {  	[tilespmem:v8+s7+$0x0] =	vst.idx.add.s32.msk vm2, v2  }
0x4d: {  	[tilespmem:v10+s7+$0x0] =	vst.idx.add.s32.msk vm0, v3  }
0x4e: {  	s10 =	sadd.s32 $0x1, s10;
	[tilespmem:v9+s7+$0x0] =	vst.idx.add.s32.msk vm3, v6  }
0x4f: {  	p0 =	sne.s32 s10, s5;
	[tilespmem:v14+s7+$0x0] =	vst.idx.add.s32.msk vm1, v1  }
.Ltmp2:
0x50: {  	[tilespmem:v15+s7+$0x0] =	vst.idx.add.s32.msk vm4, v4;
	(pc) =	sbr.rel @p0 .LBB2_1-.Ltmp2, $4  }
0x51: {  	[hbm4b:s4+s8] =	stream.strided.scatter [tilespmem:s7], [sflag:$0x1], $0x8000, s9, s8, $0x38;
	[tilespmem:$0xE200] =	vst v63  }
0x52: {  	_ =	swait.ge [sflag:s6], $0x8000  }
0x53: {  	[sflag:s6] =	ssyncset.done $0x0  }
0x54: {  	[sflag:s6] =	ssyncadd.s32 $0xFFFF8000  }
0x55: {  	_ =	sfence.sel $0x180000  }
0x56: {  	[bflag:$0x0] =	sbarrier.arrive $0xFFFF  }
0x57: {  	p0 =	sne.s32 s1, $0x0;
	_ =	strace $0x90000047  }
0x58: {  	s0 =	sadd.s32 @!p0 $0x100000, s0;
	[bflag:$0x2] =	sbarrier.arrive $0xFFFF  }
0x59: {  	[sflag:s0] =	ssyncadd.tile.s32 @!p0 $0x1;
	_ =	shalt  }
.Lfunc_end2:
_tile_overlayer_lowered:
.L_overlay_start_2:
0x5a: {  	(tag) =	ssettag $0x2  }
0x5b: {  	s0 =	rddreg [dreg:$0x0];
	s2 =	stileid.u32  }
0x5c: {  	s1 =	rddreg [dreg:$0x1];
	p0 =	sne.s32 s2, $0x0  }
0x5d: {  	s3 =	rddreg [dreg:$0x2];
	[bflag:$0x3] =	sbarrier.arrive $0xFFFF;
	s2 =	simm.s32 @!p0 $0x1C01  }
0x5e: {  	[timem:s3], [sflag:s2] =	dma.local @!p0 [hbm:s0], s1  }
0x5f: {  	s0 =	simm.s32 @!p0 $0x1  }
0x60: {  	_ =	swait.ge @!p0 [sflag:s0], s1  }
0x61: {  	s1 =	ssub.s32 @!p0 $0x0, s1;
	[sflag:s0] =	ssyncset.done @!p0 $0x0  }
0x62: {  	[sflag:s0] =	ssyncadd.s32 @!p0 s1  }
0x63: {  	[bflag:$0x3] =	sbarrier.arrive $0xFFFF  }
0x64: {  	_ =	shalt  }

</sc_bundles>
